<compile_context>
chip_gen: v7x
topology: tpu7x:2x2x1
jax: 0.10.2.dev20260603
libtpu: 0.0.44.dev20260713+nightly
codegen_flags: <defaults>
</compile_context>

<pallas_src>
import jax
import jax.numpy as jnp
from jax import lax
from jax.experimental import pallas as pl
from jax.experimental.pallas import tpu as pltpu
from jax.experimental.pallas import tpu_sc as plsc

M = 2048
D = 128
N = 8192
TN = 4096
NB = N // TN

NC = 2
NS = 16
NW = NC * NS
TPW = N // NW
RPS = M // NS


def _score_body(q_ref, v_ref, k_ref, uv_ref, g_ref, c_ref, cmacc):
    b = pl.program_id(0)

    q = q_ref[...]
    ss = jnp.sum(q * q, axis=1, keepdims=True)
    qn = q / jnp.maximum(jnp.sqrt(ss), 1e-12)
    score = lax.dot_general(
        k_ref[...], qn, (((1,), (1,)), ((), ())),
        preferred_element_type=jnp.float32)
    smax = jnp.max(score, axis=0, keepdims=True)
    iota0 = lax.broadcasted_iota(jnp.int32, (M, TN), 0)
    g = jnp.min(jnp.where(score == smax, iota0, M),
                axis=0, keepdims=True)
    e = jnp.exp(smax)
    ecol = jnp.transpose(e, (1, 0))
    uv_ref[...] = v_ref[...] * ecol
    g_ref[...] = g[0, :]
    cpart = jnp.max(score, axis=1, keepdims=True)

    @pl.when(b == 0)
    def _():
        cmacc[...] = cpart

    @pl.when(b > 0)
    def _():
        cmacc[...] = jnp.maximum(cmacc[...], cpart)

    @pl.when(b == NB - 1)
    def _():
        c_ref[...] = jnp.maximum(cmacc[...], cpart)[:, 0]


def _sc_scatter_body(uv_hbm, g_hbm, zero_hbm, out_hbm, shacc, idx_v, rows_v):
    cid = lax.axis_index("c")
    sid = lax.axis_index("s")
    wid = cid * NS + sid
    base = wid * TPW

    pltpu.sync_copy(zero_hbm.at[pl.ds(sid * RPS, RPS), :],
                    shacc.at[pl.ds(sid * RPS, RPS), :])
    plsc.subcore_barrier()

    pltpu.sync_copy(g_hbm.at[pl.ds(wid * 2, 2), :], idx_v)
    for j in range(TPW // 128):
        pltpu.sync_copy(uv_hbm.at[pl.ds(base + j * 128, 128), :], rows_v)
        pltpu.sync_copy(rows_v, shacc.at[idx_v.at[j]], add=True)

    plsc.subcore_barrier()
    pltpu.sync_copy(shacc.at[pl.ds(sid * RPS, RPS), :],
                    out_hbm.at[cid, pl.ds(sid * RPS, RPS), :])


def _finish_body(a_ref, c_ref, k_ref, out_ref):
    a = a_ref[0] + a_ref[1]
    c = c_ref[...][:, None]
    mem = a * jnp.exp(-c) + k_ref[...]
    nn = jnp.sqrt(jnp.sum(mem * mem, axis=1, keepdims=True))
    out_ref[...] = mem / jnp.maximum(nn, 1e-12)


def kernel(keys, query, value):
    qf = jnp.transpose(query, (0, 2, 3, 1)).reshape(N, D)
    vf = jnp.transpose(value, (0, 2, 3, 1)).reshape(N, D)

    uv, g, cmax = pl.pallas_call(
        _score_body,
        grid=(NB,),
        in_specs=[
            pl.BlockSpec((TN, D), lambda b: (b, 0)),
            pl.BlockSpec((TN, D), lambda b: (b, 0)),
            pl.BlockSpec((M, D), lambda b: (0, 0)),
        ],
        out_specs=[
            pl.BlockSpec((TN, D), lambda b: (b, 0)),
            pl.BlockSpec((TN,), lambda b: (b,)),
            pl.BlockSpec((M,), lambda b: (0,)),
        ],
        out_shape=[
            jax.ShapeDtypeStruct((N, D), jnp.float32),
            jax.ShapeDtypeStruct((N,), jnp.int32),
            jax.ShapeDtypeStruct((M,), jnp.float32),
        ],
        scratch_shapes=[
            pltpu.VMEM((M, 1), jnp.float32),
        ],
    )(qf, vf, keys)

    g2 = g.reshape(N // 128, 128)
    zeros = jnp.zeros((M, D), jnp.float32)

    mesh = plsc.VectorSubcoreMesh(core_axis_name="c", subcore_axis_name="s")
    accs = pl.kernel(
        _sc_scatter_body,
        out_type=jax.ShapeDtypeStruct((NC, M, D), jnp.float32),
        mesh=mesh,
        scratch_types=[
            pltpu.VMEM_SHARED((M, D), jnp.float32),
            pltpu.VMEM((2, 128), jnp.int32),
            pltpu.VMEM((128, D), jnp.float32),
        ],
    )(uv, g2, zeros)

    out = pl.pallas_call(
        _finish_body,
        grid=(1,),
        in_specs=[
            pl.BlockSpec((NC, M, D), lambda b: (0, 0, 0)),
            pl.BlockSpec((M,), lambda b: (0,)),
            pl.BlockSpec((M, D), lambda b: (0, 0)),
        ],
        out_specs=pl.BlockSpec((M, D), lambda b: (0, 0)),
        out_shape=jax.ShapeDtypeStruct((M, D), jnp.float32),
    )(accs, cmax, keys)
    return out

# --- scband reference (transcript-rebuilt; emitter-appended) ---
"""Pipeline reference for scband-memory-trans-update-38079180046959 (READ-ONLY COPY).

The authoritative reference and input builder live on the scoring server;
editing this copy changes nothing except your own understanding.
"""

import jax, jax.numpy as jnp
import numpy as np

M = 2048
D = 128
B, H, W = 8, 32, 32

def _l2norm(x, axis):
    n = jnp.linalg.norm(x, axis=axis, keepdims=True)
    return x / jnp.clip(n, 1e-12)

def setup_inputs(seed: int = 0):
    key = jax.random.key(seed)
    k1, k2, k3 = jax.random.split(key, 3)
    keys = jax.random.normal(k1, (M, D), dtype=jnp.float32)
    query = jax.random.normal(k2, (B, D, H, W), dtype=jnp.float32)
    value = jax.random.normal(k3, (B, D, H, W), dtype=jnp.float32)
    return {"keys": keys, "query": query, "value": value}

def reference(keys, query, value):
    b, d, h, w = query.shape
    m = keys.shape[0]
    # F.normalize over channel dim, then permute to [b,h,w,d]
    q = _l2norm(query, axis=1)
    q = jnp.transpose(q, (0, 2, 3, 1))
    v = jnp.transpose(value, (0, 2, 3, 1))
    # get_score
    score = jnp.matmul(q.astype(jnp.float32), keys.T.astype(jnp.float32)).reshape(b * h * w, m)
    score_query = jax.nn.softmax(score, axis=0)
    score_memory = jax.nn.softmax(score, axis=1)
    v_flat = v.reshape(b * h * w, d)
    # topk(k=1) over memory dim -> gathering indices per query token
    gathering_indices = jnp.argmax(score_memory, axis=1)
    # get_update_query, vectorized: for each slot i, sum over tokens j with g_j==i of
    #   score_query[j, i] / max(score_query[:, i]) * v_flat[j]
    col_max = jnp.max(score_query, axis=0)  # [m]
    sq_at_g = jnp.take_along_axis(score_query, gathering_indices[:, None], axis=1)[:, 0]
    wj = sq_at_g / col_max[gathering_indices]
    query_updated_memory = jax.ops.segment_sum(wj[:, None] * v_flat, gathering_indices, num_segments=m)
    updated_memory = _l2norm(query_updated_memory + keys, axis=1)
    # .detach() in torch
    return jax.lax.stop_gradient(updated_memory)

if __name__ == "__main__":
    import jax
    _d = setup_inputs()
    print(jax.jit(kernel)(*tuple(_d.values())))

</pallas_src>

<mosaic_0001>
#map = affine_map<(d0, d1) -> (0, 0)>
#map1 = affine_map<(d0, d1) -> (0, 0, 0)>
module attributes {stable_mosaic.version = 14 : i64} {
  func.func @_sc_scatter_body(%arg0: i32, %arg1: i32, %arg2: memref<8192x128xf32, #tpu.memory_space<hbm>>, %arg3: memref<64x128xi32, #tpu.memory_space<hbm>>, %arg4: memref<2048x128xf32, #tpu.memory_space<hbm>>, %arg5: memref<2x2048x128xf32, #tpu.memory_space<hbm>>, %arg6: memref<2048x128xf32, #tpu.memory_space<vmem_shared>>, %arg7: memref<2x128xi32, #tpu.memory_space<vmem>>, %arg8: memref<128x128xf32, #tpu.memory_space<vmem>>) attributes {dimension_semantics = [#tpu.dimension_semantics<core_parallel>, #tpu.dimension_semantics<subcore_parallel>], iteration_bounds = array<i64: 2, 16>, scalar_prefetch = 0 : i64, scratch_operands = 3 : i64, tpu.core_type = #tpu.core_type<sc_vector_subcore>, window_params = [{transform_indices = #map}, {transform_indices = #map}, {transform_indices = #map}, {transform_indices = #map1}]} {
    %mul3A = arith.constant 16 : i32
    %mul3A_0 = arith.muli %arg0, %mul3A : i32
    %add3A = arith.addi %mul3A_0, %arg1 : i32
    %mul3A_1 = arith.constant 256 : i32
    %mul3A_2 = arith.muli %add3A, %mul3A_1 : i32
    %mul3A_3 = arith.constant 128 : i32
    %mul3A_4 = arith.muli %arg1, %mul3A_3 : i32
    %mul3A_5 = arith.constant 128 : i32
    %mul3A_6 = arith.muli %arg1, %mul3A_5 : i32
    "tpu.region"() ({
      %run_scoped3A_19 = tpu.sem_alloc : memref<!tpu.dma_semaphore, #tpu.memory_space<semaphore_mem>>
      %dma_start3A = arith.constant 0 : i32
      %dma_start3A_20 = tpu.memref_slice %arg6[%mul3A_6, %dma_start3A] : memref<2048x128xf32, #tpu.memory_space<vmem_shared>> -> memref<128x128xf32, #tpu.memory_space<vmem_shared>>
      %dma_start3A_21 = arith.constant 0 : i32
      %dma_start3A_22 = tpu.memref_slice %arg4[%mul3A_4, %dma_start3A_21] : memref<2048x128xf32, #tpu.memory_space<hbm>> -> memref<128x128xf32, #tpu.memory_space<hbm>>
      tpu.enqueue_dma source(%dma_start3A_22 : memref<128x128xf32, #tpu.memory_space<hbm>>) target(%dma_start3A_20 : memref<128x128xf32, #tpu.memory_space<vmem_shared>>) target_semaphore(%run_scoped3A_19 : memref<!tpu.dma_semaphore, #tpu.memory_space<semaphore_mem>>)
      %dma_wait3A = arith.constant 0 : i32
      %dma_wait3A_23 = tpu.memref_slice %arg6[%mul3A_6, %dma_wait3A] : memref<2048x128xf32, #tpu.memory_space<vmem_shared>> -> memref<128x128xf32, #tpu.memory_space<vmem_shared>>
      %dma_wait3A_24 = arith.constant 0 : i32
      %dma_wait3A_25 = tpu.memref_slice %arg4[%mul3A_4, %dma_wait3A_24] : memref<2048x128xf32, #tpu.memory_space<hbm>> -> memref<128x128xf32, #tpu.memory_space<hbm>>
      tpu.wait_dma2 semaphore(%run_scoped3A_19 : memref<!tpu.dma_semaphore, #tpu.memory_space<semaphore_mem>>) src(%dma_wait3A_25 : memref<128x128xf32, #tpu.memory_space<hbm>>) dst(%dma_wait3A_23 : memref<128x128xf32, #tpu.memory_space<vmem_shared>>)
      tpu.yield
    }) : () -> ()
    %barrier3A = arith.constant 0 : index
    tpu.barrier barrier_id(%barrier3A)
    %mul3A_7 = arith.constant 2 : i32
    %mul3A_8 = arith.muli %add3A, %mul3A_7 : i32
    "tpu.region"() ({
      %run_scoped3A_19 = tpu.sem_alloc : memref<!tpu.dma_semaphore, #tpu.memory_space<semaphore_mem>>
      %dma_start3A = arith.constant 0 : i32
      %dma_start3A_20 = tpu.memref_slice %arg3[%mul3A_8, %dma_start3A] : memref<64x128xi32, #tpu.memory_space<hbm>> -> memref<2x128xi32, #tpu.memory_space<hbm>>
      %dma_start3A_21 = arith.constant 0 : i32
      %dma_start3A_22 = tpu.memref_slice %arg3[%mul3A_8, %dma_start3A_21] : memref<64x128xi32, #tpu.memory_space<hbm>> -> memref<2x128xi32, #tpu.memory_space<hbm>>
      tpu.enqueue_dma source(%dma_start3A_22 : memref<2x128xi32, #tpu.memory_space<hbm>>) target(%arg7 : memref<2x128xi32, #tpu.memory_space<vmem>>) target_semaphore(%run_scoped3A_19 : memref<!tpu.dma_semaphore, #tpu.memory_space<semaphore_mem>>)
      %dma_wait3A = arith.constant 0 : i32
      %dma_wait3A_23 = tpu.memref_slice %arg3[%mul3A_8, %dma_wait3A] : memref<64x128xi32, #tpu.memory_space<hbm>> -> memref<2x128xi32, #tpu.memory_space<hbm>>
      %dma_wait3A_24 = arith.constant 0 : i32
      %dma_wait3A_25 = tpu.memref_slice %arg3[%mul3A_8, %dma_wait3A_24] : memref<64x128xi32, #tpu.memory_space<hbm>> -> memref<2x128xi32, #tpu.memory_space<hbm>>
      tpu.wait_dma2 semaphore(%run_scoped3A_19 : memref<!tpu.dma_semaphore, #tpu.memory_space<semaphore_mem>>) src(%dma_wait3A_25 : memref<2x128xi32, #tpu.memory_space<hbm>>) dst(%arg7 : memref<2x128xi32, #tpu.memory_space<vmem>>)
      tpu.yield
    }) : () -> ()
    %add3A_9 = arith.constant 0 : i32
    %add3A_10 = arith.addi %mul3A_2, %add3A_9 : i32
    "tpu.region"() ({
      %run_scoped3A_19 = tpu.sem_alloc : memref<!tpu.dma_semaphore, #tpu.memory_space<semaphore_mem>>
      %dma_start3A = arith.constant 0 : i32
      %dma_start3A_20 = tpu.memref_slice %arg2[%add3A_10, %dma_start3A] : memref<8192x128xf32, #tpu.memory_space<hbm>> -> memref<128x128xf32, #tpu.memory_space<hbm>>
      %dma_start3A_21 = arith.constant 0 : i32
      %dma_start3A_22 = tpu.memref_slice %arg2[%add3A_10, %dma_start3A_21] : memref<8192x128xf32, #tpu.memory_space<hbm>> -> memref<128x128xf32, #tpu.memory_space<hbm>>
      tpu.enqueue_dma source(%dma_start3A_22 : memref<128x128xf32, #tpu.memory_space<hbm>>) target(%arg8 : memref<128x128xf32, #tpu.memory_space<vmem>>) target_semaphore(%run_scoped3A_19 : memref<!tpu.dma_semaphore, #tpu.memory_space<semaphore_mem>>)
      %dma_wait3A = arith.constant 0 : i32
      %dma_wait3A_23 = tpu.memref_slice %arg2[%add3A_10, %dma_wait3A] : memref<8192x128xf32, #tpu.memory_space<hbm>> -> memref<128x128xf32, #tpu.memory_space<hbm>>
      %dma_wait3A_24 = arith.constant 0 : i32
      %dma_wait3A_25 = tpu.memref_slice %arg2[%add3A_10, %dma_wait3A_24] : memref<8192x128xf32, #tpu.memory_space<hbm>> -> memref<128x128xf32, #tpu.memory_space<hbm>>
      tpu.wait_dma2 semaphore(%run_scoped3A_19 : memref<!tpu.dma_semaphore, #tpu.memory_space<semaphore_mem>>) src(%dma_wait3A_25 : memref<128x128xf32, #tpu.memory_space<hbm>>) dst(%arg8 : memref<128x128xf32, #tpu.memory_space<vmem>>)
      tpu.yield
    }) : () -> ()
    %run_scoped3A = arith.constant 0 : i32
    "tpu.region"() ({
      %run_scoped3A_19 = tpu.sem_alloc : memref<!tpu.dma_semaphore, #tpu.memory_space<semaphore_mem>>
      %dma_start3A = arith.constant 0 : i32
      %dma_start3A_20 = tpu.memref_slice %arg7[%run_scoped3A, %dma_start3A] : memref<2x128xi32, #tpu.memory_space<vmem>> -> memref<1x128xi32, #tpu.memory_space<vmem>>
      %dma_start3A_21 = tpu.memref_squeeze %dma_start3A_20 : memref<1x128xi32, #tpu.memory_space<vmem>> -> memref<128xi32, #tpu.memory_space<vmem>>
      %dma_start3A_22 = arith.constant 0 : i32
      %dma_start3A_23 = arith.constant 0 : i32
      %dma_start3A_24 = tpu.memref_slice %arg6[%dma_start3A_22, %dma_start3A_23] : memref<2048x128xf32, #tpu.memory_space<vmem_shared>> -> memref<2048x128xf32, #tpu.memory_space<vmem_shared>>
      tpu.enqueue_indirect_dma source(%arg8 : memref<128x128xf32, #tpu.memory_space<vmem>>) target(%dma_start3A_24 : memref<2048x128xf32, #tpu.memory_space<vmem_shared>>) offsets(%dma_start3A_21 : memref<128xi32, #tpu.memory_space<vmem>>) semaphore(%run_scoped3A_19 : memref<!tpu.dma_semaphore, #tpu.memory_space<semaphore_mem>>) {add = true}
      %dma_wait3A = arith.constant 0 : i32
      %dma_wait3A_25 = tpu.memref_slice %arg7[%run_scoped3A, %dma_wait3A] : memref<2x128xi32, #tpu.memory_space<vmem>> -> memref<1x128xi32, #tpu.memory_space<vmem>>
      %dma_wait3A_26 = tpu.memref_squeeze %dma_wait3A_25 : memref<1x128xi32, #tpu.memory_space<vmem>> -> memref<128xi32, #tpu.memory_space<vmem>>
      %dma_wait3A_27 = arith.constant 0 : i32
      %dma_wait3A_28 = arith.constant 0 : i32
      %dma_wait3A_29 = tpu.memref_slice %arg6[%dma_wait3A_27, %dma_wait3A_28] : memref<2048x128xf32, #tpu.memory_space<vmem_shared>> -> memref<2048x128xf32, #tpu.memory_space<vmem_shared>>
      tpu.wait_indirect_dma semaphore(%run_scoped3A_19 : memref<!tpu.dma_semaphore, #tpu.memory_space<semaphore_mem>>) src(%arg8 : memref<128x128xf32, #tpu.memory_space<vmem>>) dst(%dma_wait3A_29 : memref<2048x128xf32, #tpu.memory_space<vmem_shared>>)
      tpu.yield
    }) : () -> ()
    %add3A_11 = arith.constant 128 : i32
    %add3A_12 = arith.addi %mul3A_2, %add3A_11 : i32
    "tpu.region"() ({
      %run_scoped3A_19 = tpu.sem_alloc : memref<!tpu.dma_semaphore, #tpu.memory_space<semaphore_mem>>
      %dma_start3A = arith.constant 0 : i32
      %dma_start3A_20 = tpu.memref_slice %arg2[%add3A_12, %dma_start3A] : memref<8192x128xf32, #tpu.memory_space<hbm>> -> memref<128x128xf32, #tpu.memory_space<hbm>>
      %dma_start3A_21 = arith.constant 0 : i32
      %dma_start3A_22 = tpu.memref_slice %arg2[%add3A_12, %dma_start3A_21] : memref<8192x128xf32, #tpu.memory_space<hbm>> -> memref<128x128xf32, #tpu.memory_space<hbm>>
      tpu.enqueue_dma source(%dma_start3A_22 : memref<128x128xf32, #tpu.memory_space<hbm>>) target(%arg8 : memref<128x128xf32, #tpu.memory_space<vmem>>) target_semaphore(%run_scoped3A_19 : memref<!tpu.dma_semaphore, #tpu.memory_space<semaphore_mem>>)
      %dma_wait3A = arith.constant 0 : i32
      %dma_wait3A_23 = tpu.memref_slice %arg2[%add3A_12, %dma_wait3A] : memref<8192x128xf32, #tpu.memory_space<hbm>> -> memref<128x128xf32, #tpu.memory_space<hbm>>
      %dma_wait3A_24 = arith.constant 0 : i32
      %dma_wait3A_25 = tpu.memref_slice %arg2[%add3A_12, %dma_wait3A_24] : memref<8192x128xf32, #tpu.memory_space<hbm>> -> memref<128x128xf32, #tpu.memory_space<hbm>>
      tpu.wait_dma2 semaphore(%run_scoped3A_19 : memref<!tpu.dma_semaphore, #tpu.memory_space<semaphore_mem>>) src(%dma_wait3A_25 : memref<128x128xf32, #tpu.memory_space<hbm>>) dst(%arg8 : memref<128x128xf32, #tpu.memory_space<vmem>>)
      tpu.yield
    }) : () -> ()
    %run_scoped3A_13 = arith.constant 1 : i32
    "tpu.region"() ({
      %run_scoped3A_19 = tpu.sem_alloc : memref<!tpu.dma_semaphore, #tpu.memory_space<semaphore_mem>>
      %dma_start3A = arith.constant 0 : i32
      %dma_start3A_20 = tpu.memref_slice %arg7[%run_scoped3A_13, %dma_start3A] : memref<2x128xi32, #tpu.memory_space<vmem>> -> memref<1x128xi32, #tpu.memory_space<vmem>>
      %dma_start3A_21 = tpu.memref_squeeze %dma_start3A_20 : memref<1x128xi32, #tpu.memory_space<vmem>> -> memref<128xi32, #tpu.memory_space<vmem>>
      %dma_start3A_22 = arith.constant 0 : i32
      %dma_start3A_23 = arith.constant 0 : i32
      %dma_start3A_24 = tpu.memref_slice %arg6[%dma_start3A_22, %dma_start3A_23] : memref<2048x128xf32, #tpu.memory_space<vmem_shared>> -> memref<2048x128xf32, #tpu.memory_space<vmem_shared>>
      tpu.enqueue_indirect_dma source(%arg8 : memref<128x128xf32, #tpu.memory_space<vmem>>) target(%dma_start3A_24 : memref<2048x128xf32, #tpu.memory_space<vmem_shared>>) offsets(%dma_start3A_21 : memref<128xi32, #tpu.memory_space<vmem>>) semaphore(%run_scoped3A_19 : memref<!tpu.dma_semaphore, #tpu.memory_space<semaphore_mem>>) {add = true}
      %dma_wait3A = arith.constant 0 : i32
      %dma_wait3A_25 = tpu.memref_slice %arg7[%run_scoped3A_13, %dma_wait3A] : memref<2x128xi32, #tpu.memory_space<vmem>> -> memref<1x128xi32, #tpu.memory_space<vmem>>
      %dma_wait3A_26 = tpu.memref_squeeze %dma_wait3A_25 : memref<1x128xi32, #tpu.memory_space<vmem>> -> memref<128xi32, #tpu.memory_space<vmem>>
      %dma_wait3A_27 = arith.constant 0 : i32
      %dma_wait3A_28 = arith.constant 0 : i32
      %dma_wait3A_29 = tpu.memref_slice %arg6[%dma_wait3A_27, %dma_wait3A_28] : memref<2048x128xf32, #tpu.memory_space<vmem_shared>> -> memref<2048x128xf32, #tpu.memory_space<vmem_shared>>
      tpu.wait_indirect_dma semaphore(%run_scoped3A_19 : memref<!tpu.dma_semaphore, #tpu.memory_space<semaphore_mem>>) src(%arg8 : memref<128x128xf32, #tpu.memory_space<vmem>>) dst(%dma_wait3A_29 : memref<2048x128xf32, #tpu.memory_space<vmem_shared>>)
      tpu.yield
    }) : () -> ()
    %barrier3A_14 = arith.constant 0 : index
    tpu.barrier barrier_id(%barrier3A_14)
    %mul3A_15 = arith.constant 128 : i32
    %mul3A_16 = arith.muli %arg1, %mul3A_15 : i32
    %mul3A_17 = arith.constant 128 : i32
    %mul3A_18 = arith.muli %arg1, %mul3A_17 : i32
    "tpu.region"() ({
      %run_scoped3A_19 = tpu.sem_alloc : memref<!tpu.dma_semaphore, #tpu.memory_space<semaphore_mem>>
      %dma_start3A = arith.constant 0 : i32
      %dma_start3A_20 = tpu.memref_slice %arg5[%arg0, %mul3A_18, %dma_start3A] : memref<2x2048x128xf32, #tpu.memory_space<hbm>> -> memref<1x128x128xf32, #tpu.memory_space<hbm>>
      %dma_start3A_21 = tpu.memref_squeeze %dma_start3A_20 : memref<1x128x128xf32, #tpu.memory_space<hbm>> -> memref<128x128xf32, #tpu.memory_space<hbm>>
      %dma_start3A_22 = arith.constant 0 : i32
      %dma_start3A_23 = tpu.memref_slice %arg6[%mul3A_16, %dma_start3A_22] : memref<2048x128xf32, #tpu.memory_space<vmem_shared>> -> memref<128x128xf32, #tpu.memory_space<vmem_shared>>
      tpu.enqueue_dma source(%dma_start3A_23 : memref<128x128xf32, #tpu.memory_space<vmem_shared>>) target(%dma_start3A_21 : memref<128x128xf32, #tpu.memory_space<hbm>>) target_semaphore(%run_scoped3A_19 : memref<!tpu.dma_semaphore, #tpu.memory_space<semaphore_mem>>)
      %dma_wait3A = arith.constant 0 : i32
      %dma_wait3A_24 = tpu.memref_slice %arg5[%arg0, %mul3A_18, %dma_wait3A] : memref<2x2048x128xf32, #tpu.memory_space<hbm>> -> memref<1x128x128xf32, #tpu.memory_space<hbm>>
      %dma_wait3A_25 = tpu.memref_squeeze %dma_wait3A_24 : memref<1x128x128xf32, #tpu.memory_space<hbm>> -> memref<128x128xf32, #tpu.memory_space<hbm>>
      %dma_wait3A_26 = arith.constant 0 : i32
      %dma_wait3A_27 = tpu.memref_slice %arg6[%mul3A_16, %dma_wait3A_26] : memref<2048x128xf32, #tpu.memory_space<vmem_shared>> -> memref<128x128xf32, #tpu.memory_space<vmem_shared>>
      tpu.wait_dma2 semaphore(%run_scoped3A_19 : memref<!tpu.dma_semaphore, #tpu.memory_space<semaphore_mem>>) src(%dma_wait3A_27 : memref<128x128xf32, #tpu.memory_space<vmem_shared>>) dst(%dma_wait3A_25 : memref<128x128xf32, #tpu.memory_space<hbm>>)
      tpu.yield
    }) : () -> ()
    return
  }
}

module attributes {stable_mosaic.version = 14 : i64} {
  func.func @_finish_body(%arg0: i32, %arg1: memref<2x2048x128xf32, #tpu.memory_space<vmem>>, %arg2: memref<2048xf32, #tpu.memory_space<vmem>>, %arg3: memref<2048x128xf32, #tpu.memory_space<vmem>>, %arg4: memref<2048x128xf32, #tpu.memory_space<vmem>>) attributes {dimension_semantics = [#tpu.dimension_semantics<arbitrary>], iteration_bounds = array<i64: 1>, scalar_prefetch = 0 : i64, scratch_operands = 0 : i64, tpu.core_type = #tpu.core_type<tc>, window_params = [{pipeline_mode = #tpu.pipeline_mode<synchronous>, transform_indices = @transform_0, window_bounds = array<i64: 2, 2048, 128>}, {pipeline_mode = #tpu.pipeline_mode<synchronous>, transform_indices = @transform_1, window_bounds = array<i64: 2048>}, {pipeline_mode = #tpu.pipeline_mode<synchronous>, transform_indices = @transform_2, window_bounds = array<i64: 2048, 128>}, {pipeline_mode = #tpu.pipeline_mode<synchronous>, transform_indices = @transform_3, window_bounds = array<i64: 2048, 128>}]} {
    %get3A = arith.constant 0 : index
    %get3A_0 = arith.constant 0 : index
    %get3A_1 = arith.constant 0 : index
    %get3A_2 = vector.load %arg1[%get3A, %get3A_0, %get3A_1] : memref<2x2048x128xf32, #tpu.memory_space<vmem>>, vector<1x2048x128xf32>
    %get3A_3 = vector.shape_cast %get3A_2 : vector<1x2048x128xf32> to vector<2048x128xf32>
    %get3A_4 = arith.constant 1 : index
    %get3A_5 = arith.constant 0 : index
    %get3A_6 = arith.constant 0 : index
    %get3A_7 = vector.load %arg1[%get3A_4, %get3A_5, %get3A_6] : memref<2x2048x128xf32, #tpu.memory_space<vmem>>, vector<1x2048x128xf32>
    %get3A_8 = vector.shape_cast %get3A_7 : vector<1x2048x128xf32> to vector<2048x128xf32>
    %add3A = arith.addf %get3A_3, %get3A_8 : vector<2048x128xf32>
    %get3A_9 = arith.constant 0 : index
    %get3A_10 = vector.load %arg2[%get3A_9] : memref<2048xf32, #tpu.memory_space<vmem>>, vector<2048xf32>
    %broadcast_in_dim3A = vector.shape_cast %get3A_10 : vector<2048xf32> to vector<2048x1xf32>
    %neg3A = arith.constant 0.000000e+00 : f32
    %neg3A_11 = vector.broadcast %neg3A : f32 to vector<2048x1xf32>
    %neg3A_12 = arith.subf %neg3A_11, %broadcast_in_dim3A : vector<2048x1xf32>
    %exp3A = math.exp %neg3A_12 : vector<2048x1xf32>
    %mul3A = vector.broadcast %exp3A : vector<2048x1xf32> to vector<2048x128xf32>
    %mul3A_13 = arith.mulf %add3A, %mul3A : vector<2048x128xf32>
    %get3A_14 = arith.constant 0 : index
    %get3A_15 = arith.constant 0 : index
    %get3A_16 = vector.load %arg3[%get3A_14, %get3A_15] : memref<2048x128xf32, #tpu.memory_space<vmem>>, vector<2048x128xf32>
    %add3A_17 = arith.addf %mul3A_13, %get3A_16 : vector<2048x128xf32>
    %mul3A_18 = arith.mulf %add3A_17, %add3A_17 : vector<2048x128xf32>
    %reduce_sum3A = arith.constant dense<0.000000e+00> : vector<2048xf32>
    %reduce_sum3A_19 = vector.multi_reduction <add>, %mul3A_18, %reduce_sum3A [1] : vector<2048x128xf32> to vector<2048xf32>
    %broadcast_in_dim3A_20 = vector.shape_cast %reduce_sum3A_19 : vector<2048xf32> to vector<2048x1xf32>
    %sqrt3A = math.sqrt %broadcast_in_dim3A_20 : vector<2048x1xf32>
    %max3A = arith.constant 9.99999996E-13 : f32
    %max3A_21 = vector.broadcast %max3A : f32 to vector<2048x1xf32>
    %max3A_22 = arith.maximumf %sqrt3A, %max3A_21 : vector<2048x1xf32>
    %div3A = vector.broadcast %max3A_22 : vector<2048x1xf32> to vector<2048x128xf32>
    %div3A_23 = arith.divf %add3A_17, %div3A : vector<2048x128xf32>
    %swap3A = arith.constant 0 : index
    %swap3A_24 = arith.constant 0 : index
    %swap3A_25 = vector.load %arg4[%swap3A, %swap3A_24] : memref<2048x128xf32, #tpu.memory_space<vmem>>, vector<2048x128xf32>
    tpu.vector_store %arg4[%swap3A, %swap3A_24], %div3A_23 {strides = array<i32>} : memref<2048x128xf32, #tpu.memory_space<vmem>>, vector<2048x128xf32>,
    return
  }
  func.func @transform_0(%arg0: i32) -> (i32, i32, i32) {
    %c0_i32 = arith.constant 0 : i32
    %c0_i32_0 = arith.constant 0 : i32
    %c0_i32_1 = arith.constant 0 : i32
    %c0_i32_2 = arith.constant 0 : i32
    return %c0_i32, %c0_i32_0, %c0_i32_1 : i32, i32, i32
  }
  func.func @transform_1(%arg0: i32) -> i32 {
    %c0_i32 = arith.constant 0 : i32
    %c0_i32_0 = arith.constant 0 : i32
    return %c0_i32 : i32
  }
  func.func @transform_2(%arg0: i32) -> (i32, i32) {
    %c0_i32 = arith.constant 0 : i32
    %c0_i32_0 = arith.constant 0 : i32
    %c0_i32_1 = arith.constant 0 : i32
    return %c0_i32, %c0_i32_0 : i32, i32
  }
  func.func @transform_3(%arg0: i32) -> (i32, i32) {
    %c0_i32 = arith.constant 0 : i32
    %c0_i32_0 = arith.constant 0 : i32
    %c0_i32_1 = arith.constant 0 : i32
    return %c0_i32, %c0_i32_0 : i32, i32
  }
}

module attributes {stable_mosaic.version = 14 : i64} {
  func.func @_score_body(%arg0: i32, %arg1: memref<4096x128xf32, #tpu.memory_space<vmem>>, %arg2: memref<4096x128xf32, #tpu.memory_space<vmem>>, %arg3: memref<2048x128xf32, #tpu.memory_space<vmem>>, %arg4: memref<4096x128xf32, #tpu.memory_space<vmem>>, %arg5: memref<4096xi32, #tpu.memory_space<vmem>>, %arg6: memref<2048xf32, #tpu.memory_space<vmem>>, %arg7: memref<2048x1xf32, #tpu.memory_space<vmem>>) attributes {dimension_semantics = [#tpu.dimension_semantics<arbitrary>], iteration_bounds = array<i64: 2>, scalar_prefetch = 0 : i64, scratch_operands = 1 : i64, tpu.core_type = #tpu.core_type<tc>, window_params = [{transform_indices = @transform_0, window_bounds = array<i64: 4096, 128>}, {transform_indices = @transform_1, window_bounds = array<i64: 4096, 128>}, {pipeline_mode = #tpu.pipeline_mode<synchronous>, transform_indices = @transform_2, window_bounds = array<i64: 2048, 128>}, {transform_indices = @transform_3, window_bounds = array<i64: 4096, 128>}, {transform_indices = @transform_4, window_bounds = array<i64: 4096>}, {pipeline_mode = #tpu.pipeline_mode<synchronous>, transform_indices = @transform_5, window_bounds = array<i64: 2048>}]} {
    %get3A = arith.constant 0 : index
    %get3A_0 = arith.constant 0 : index
    %get3A_1 = vector.load %arg1[%get3A, %get3A_0] : memref<4096x128xf32, #tpu.memory_space<vmem>>, vector<4096x128xf32>
    %mul3A = arith.mulf %get3A_1, %get3A_1 : vector<4096x128xf32>
    %reduce_sum3A = arith.constant dense<0.000000e+00> : vector<4096xf32>
    %reduce_sum3A_2 = vector.multi_reduction <add>, %mul3A, %reduce_sum3A [1] : vector<4096x128xf32> to vector<4096xf32>
    %broadcast_in_dim3A = vector.shape_cast %reduce_sum3A_2 : vector<4096xf32> to vector<4096x1xf32>
    %sqrt3A = math.sqrt %broadcast_in_dim3A : vector<4096x1xf32>
    %max3A = arith.constant 9.99999996E-13 : f32
    %max3A_3 = vector.broadcast %max3A : f32 to vector<4096x1xf32>
    %max3A_4 = arith.maximumf %sqrt3A, %max3A_3 : vector<4096x1xf32>
    %div3A = vector.broadcast %max3A_4 : vector<4096x1xf32> to vector<4096x128xf32>
    %div3A_5 = arith.divf %get3A_1, %div3A : vector<4096x128xf32>
    %get3A_6 = arith.constant 0 : index
    %get3A_7 = arith.constant 0 : index
    %get3A_8 = vector.load %arg3[%get3A_6, %get3A_7] : memref<2048x128xf32, #tpu.memory_space<vmem>>, vector<2048x128xf32>
    %dot_general3A = arith.constant dense<0.000000e+00> : vector<2048x4096xf32>
    %dot_general3A_9 = tpu.matmul %get3A_8, %div3A_5, %dot_general3A {dimension_numbers = #tpu.dot_dimension_numbers<[1], [1], [0], [0], [0, 0, 1, 0], [], []>, transpose_lhs_hint = false} : vector<2048x128xf32>, vector<4096x128xf32>, vector<2048x4096xf32> -> vector<2048x4096xf32>
    %reduce_max3A = arith.constant dense<0xFF800000> : vector<4096xf32>
    %reduce_max3A_10 = vector.multi_reduction <maximumf>, %dot_general3A_9, %reduce_max3A [0] : vector<2048x4096xf32> to vector<4096xf32>
    %broadcast_in_dim3A_11 = vector.shape_cast %reduce_max3A_10 : vector<4096xf32> to vector<1x4096xf32>
    %iota3A = tpu.iota {dimensions = array<i32: 0>} : vector<2048x4096xi32>
    %eq3A = vector.broadcast %broadcast_in_dim3A_11 : vector<1x4096xf32> to vector<2048x4096xf32>
    %eq3A_12 = arith.cmpf oeq, %dot_general3A_9, %eq3A : vector<2048x4096xf32>
    %jit3A = arith.constant 2048 : i32
    %broadcast_in_dim3A_13 = vector.broadcast %jit3A : i32 to vector<2048x4096xi32>
    %select_n3A = arith.select %eq3A_12, %iota3A, %broadcast_in_dim3A_13 : vector<2048x4096xi1>, vector<2048x4096xi32>
    %reduce_min3A = arith.constant dense<2147483647> : vector<4096xi32>
    %reduce_min3A_14 = vector.multi_reduction <minsi>, %select_n3A, %reduce_min3A [0] : vector<2048x4096xi32> to vector<4096xi32>
    %broadcast_in_dim3A_15 = vector.shape_cast %reduce_min3A_14 : vector<4096xi32> to vector<1x4096xi32>
    %exp3A = math.exp %broadcast_in_dim3A_11 : vector<1x4096xf32>
    %transpose3A = tpu.transpose %exp3A, [1, 0] : vector<1x4096xf32> -> vector<4096x1xf32>
    %get3A_16 = arith.constant 0 : index
    %get3A_17 = arith.constant 0 : index
    %get3A_18 = vector.load %arg2[%get3A_16, %get3A_17] : memref<4096x128xf32, #tpu.memory_space<vmem>>, vector<4096x128xf32>
    %mul3A_19 = vector.broadcast %transpose3A : vector<4096x1xf32> to vector<4096x128xf32>
    %mul3A_20 = arith.mulf %get3A_18, %mul3A_19 : vector<4096x128xf32>
    %swap3A = arith.constant 0 : index
    %swap3A_21 = arith.constant 0 : index
    %swap3A_22 = vector.load %arg4[%swap3A, %swap3A_21] : memref<4096x128xf32, #tpu.memory_space<vmem>>, vector<4096x128xf32>
    tpu.vector_store %arg4[%swap3A, %swap3A_21], %mul3A_20 {strides = array<i32>} : memref<4096x128xf32, #tpu.memory_space<vmem>>, vector<4096x128xf32>,
    %squeeze3A = vector.shape_cast %broadcast_in_dim3A_15 : vector<1x4096xi32> to vector<4096xi32>
    %swap3A_23 = arith.constant 0 : index
    %swap3A_24 = vector.load %arg5[%swap3A_23] : memref<4096xi32, #tpu.memory_space<vmem>>, vector<4096xi32>
    tpu.vector_store %arg5[%swap3A_23], %squeeze3A {strides = array<i32>} : memref<4096xi32, #tpu.memory_space<vmem>>, vector<4096xi32>,
    %reduce_max3A_25 = arith.constant dense<0xFF800000> : vector<2048xf32>
    %reduce_max3A_26 = vector.multi_reduction <maximumf>, %dot_general3A_9, %reduce_max3A_25 [1] : vector<2048x4096xf32> to vector<2048xf32>
    %broadcast_in_dim3A_27 = vector.shape_cast %reduce_max3A_26 : vector<2048xf32> to vector<2048x1xf32>
    %eq3A_28 = arith.constant 0 : i32
    %eq3A_29 = arith.cmpi eq, %arg0, %eq3A_28 : i32
    %convert_element_type3A = arith.extui %eq3A_29 : i1 to i32
    %cond3A = arith.constant 0 : i32
    %cond3A_30 = arith.cmpi ne, %convert_element_type3A, %cond3A : i32
    scf.if %cond3A_30 {
      %swap3A_40 = arith.constant 0 : index
      %swap3A_41 = arith.constant 0 : index
      %swap3A_42 = vector.load %arg7[%swap3A_40, %swap3A_41] : memref<2048x1xf32, #tpu.memory_space<vmem>>, vector<2048x1xf32>
      tpu.vector_store %arg7[%swap3A_40, %swap3A_41], %broadcast_in_dim3A_27 {strides = array<i32>} : memref<2048x1xf32, #tpu.memory_space<vmem>>, vector<2048x1xf32>,
    } else {
    }
    %gt3A = arith.constant 0 : i32
    %gt3A_31 = arith.cmpi sgt, %arg0, %gt3A : i32
    %convert_element_type3A_32 = arith.extui %gt3A_31 : i1 to i32
    %cond3A_33 = arith.constant 0 : i32
    %cond3A_34 = arith.cmpi ne, %convert_element_type3A_32, %cond3A_33 : i32
    scf.if %cond3A_34 {
      %get3A_40 = arith.constant 0 : index
      %get3A_41 = arith.constant 0 : index
      %get3A_42 = vector.load %arg7[%get3A_40, %get3A_41] : memref<2048x1xf32, #tpu.memory_space<vmem>>, vector<2048x1xf32>
      %max3A_43 = arith.maximumf %get3A_42, %broadcast_in_dim3A_27 : vector<2048x1xf32>
      %swap3A_44 = arith.constant 0 : index
      %swap3A_45 = arith.constant 0 : index
      %swap3A_46 = vector.load %arg7[%swap3A_44, %swap3A_45] : memref<2048x1xf32, #tpu.memory_space<vmem>>, vector<2048x1xf32>
      tpu.vector_store %arg7[%swap3A_44, %swap3A_45], %max3A_43 {strides = array<i32>} : memref<2048x1xf32, #tpu.memory_space<vmem>>, vector<2048x1xf32>,
    } else {
    }
    %eq3A_35 = arith.constant 1 : i32
    %eq3A_36 = arith.cmpi eq, %arg0, %eq3A_35 : i32
    %convert_element_type3A_37 = arith.extui %eq3A_36 : i1 to i32
    %cond3A_38 = arith.constant 0 : i32
    %cond3A_39 = arith.cmpi ne, %convert_element_type3A_37, %cond3A_38 : i32
    scf.if %cond3A_39 {
      %get3A_40 = arith.constant 0 : index
      %get3A_41 = arith.constant 0 : index
      %get3A_42 = vector.load %arg7[%get3A_40, %get3A_41] : memref<2048x1xf32, #tpu.memory_space<vmem>>, vector<2048x1xf32>
      %max3A_43 = arith.maximumf %get3A_42, %broadcast_in_dim3A_27 : vector<2048x1xf32>
      %squeeze3A_44 = vector.shape_cast %max3A_43 : vector<2048x1xf32> to vector<2048xf32>
      %swap3A_45 = arith.constant 0 : index
      %swap3A_46 = vector.load %arg6[%swap3A_45] : memref<2048xf32, #tpu.memory_space<vmem>>, vector<2048xf32>
      tpu.vector_store %arg6[%swap3A_45], %squeeze3A_44 {strides = array<i32>} : memref<2048xf32, #tpu.memory_space<vmem>>, vector<2048xf32>,
    } else {
    }
    return
  }
  func.func @transform_0(%arg0: i32) -> (i32, i32) {
    %c0_i32 = arith.constant 0 : i32
    %c0_i32_0 = arith.constant 0 : i32
    return %arg0, %c0_i32 : i32, i32
  }
  func.func @transform_1(%arg0: i32) -> (i32, i32) {
    %c0_i32 = arith.constant 0 : i32
    %c0_i32_0 = arith.constant 0 : i32
    return %arg0, %c0_i32 : i32, i32
  }
  func.func @transform_2(%arg0: i32) -> (i32, i32) {
    %c0_i32 = arith.constant 0 : i32
    %c0_i32_0 = arith.constant 0 : i32
    %c0_i32_1 = arith.constant 0 : i32
    return %c0_i32, %c0_i32_0 : i32, i32
  }
  func.func @transform_3(%arg0: i32) -> (i32, i32) {
    %c0_i32 = arith.constant 0 : i32
    %c0_i32_0 = arith.constant 0 : i32
    return %arg0, %c0_i32 : i32, i32
  }
  func.func @transform_4(%arg0: i32) -> i32 {
    %c0_i32 = arith.constant 0 : i32
    return %arg0 : i32
  }
  func.func @transform_5(%arg0: i32) -> i32 {
    %c0_i32 = arith.constant 0 : i32
    %c0_i32_0 = arith.constant 0 : i32
    return %c0_i32 : i32
  }
}

</mosaic_0001>

<sc_bundles>
// kernel: kernel.5.cloned.1.call-start
scs
__scs_entry_jumppad:
0x0: {  	(pc) =	sbr.rel $0x88, $3  }
0x1: {  	(tag) =	ssettag $0x0;
	lr =	simm.s32 $0x1  }
0x2: {  	[smem:$0x3F9E] =	sst lr;
	_ =	strace $0xD0000000  }
0x3: {  	_ = 	snop  }
0x4: {  	_ = 	snop  }
0x5: {  	_ = 	snop  }
0x6: {  	_ = 	snop  }
0x7: {  	_ = 	snop  }
__scs_overlays_trampoline_lowered:
0x8: {  	[smem:$0x3FAD] =	sst s0  }
0x9: {  	[smem:$0x3FAE] =	sst s1  }
0xa: {  	[smem:$0x3FAF] =	sst s2  }
0xb: {  	[smem:$0x3FB0] =	sst s3  }
0xc: {  	[smem:$0x3FB1] =	sst s4  }
0xd: {  	[smem:$0x3FB2] =	sst s5  }
0xe: {  	[smem:$0x3FB3] =	sst s6  }
0xf: {  	[smem:$0x3FB4] =	sst s7  }
0x10: {  	[smem:$0x3FB5] =	sst s8  }
0x11: {  	[smem:$0x3FB6] =	sst s9;
	s0 =	simm.s32 @!p0 $0x0  }
0x12: {  	s1 =	sld [smem:$0x3F9C];
	s0 =	simm.s32 @p0 $0x1  }
0x13: {  	[smem:$0x3FB7] =	sst s0;
	s0 =	simm.s32 @!p1 $0x0  }
0x14: {  	s2 =	sld [smem:$0x3F9B];
	s0 =	simm.s32 @p1 $0x1  }
0x15: {  	[smem:$0x3FB8] =	sst s0;
	s0 =	simm.s32 @!p2 $0x0  }
0x16: {  	s3 =	sld [smem:$0x3FDB];
	s0 =	simm.s32 @p2 $0x1  }
0x17: {  	s4 =	simm.s32 $0x1BF5;
	[smem:$0x3FBA] =	sst s0  }
0x18: {  	s0 =	sld [smem:$0x3F9D];
	_ =	swait.ge [sflag:s4], $0x0  }
0x19: {  	s7 =	sld [smem:$0x3F9E]  }
0x1a: {  	s8 =	sadd.s32 $0xFFFFE003, lr  }
0x1b: {  	s9 =	sadd.s32 $0xFFFFFEF7, lr;
	s5 =	simm.s32 $0xFFFFFFFF;
	p2 =	slt.u32 s8, $0xFFFFF086  }
0x1c: {  	p1 =	slt.u32 s9, $0xF7A;
	s5 =	simm.s32 @!p2 $0x0  }
0x1d: {  	s5 =	simm.s32 @p1 $0x1;
	p0 =	seq.s32 s7, s2  }
0x1e: {  	s7 =	smul.u32 @!p0 $0xF7A, s2;
	p2 =	seq.s32 @!p0 s5, $0x0  }
0x1f: {  	s9 =	smul.u32 $0xF7A, s1;
	s8 =	simm.s32 @!p0 $0x1BF5;
	p2 =	por !p2, p0  }
0x20: {  	[sflag:s8] =	ssyncset.s32 @!p0 $0xFFFFF086;
	s6 =	sadd.s32 @!p0 s3, s7;
	s7 =	simm.s32 @!p0 $0x108  }
0x21: {  	s3 =	sadd.s32 s3, s9;
	s6 =	sadd.s32 @!p0 $0x88, s6;
	s7 =	simm.s32 @p2 $0x1082  }
0x22: {  	[simem:s7], [sflag:s8] =	dma.local @!p0 [hbm:s6], $0xF7A  }
0x23: {  	s9 =	sor.u32 $0xD0000000, s2;
	s6 =	simm.s32 $0x108;
	_ =	swait.ge @!p0 [sflag:s8], $0x0  }
0x24: {  	s3 =	sadd.s32 $0x88, s3;
	s6 =	simm.s32 @!p1 $0x1082;
	[sflag:s4] =	ssyncset.s32 $0xFFFFF086  }
0x25: {  	[simem:s6], [sflag:s4] =	dma.local [hbm:s3], $0xF7A  }
0x26: {  	[smem:$0x3F9E] =	sst s1;
	(tag) =	ssettag s2;
	_ =	strace s9  }
0x27: {  	s1 =	sld [smem:$0x3FAE]  }
0x28: {  	s2 =	sld [smem:$0x3FAF]  }
0x29: {  	s4 =	sld [smem:$0x3FB1]  }
0x2a: {  	p0 =	seq.s32 s5, $0x0;
	s5 =	sld [smem:$0x3FB2]  }
0x2b: {  	s6 =	sld [smem:$0x3FB3]  }
0x2c: {  	s7 =	sld [smem:$0x3FB4]  }
0x2d: {  	s3 =	simm.s32 $0x108;
	s8 =	sld [smem:$0x3FB5]  }
0x2e: {  	s3 =	simm.s32 @!p0 $0x1082;
	s9 =	sld [smem:$0x3FB6]  }
0x2f: {  	lr =	sadd.s32 s0, s3;
	s0 =	sld [smem:$0x3FAD]  }
0x30: {  	s3 =	sld [smem:$0x3FB0]  }
0x31: {  	[smem:$0x3FB9] =	sst s10  }
0x32: {  	s10 =	sld [smem:$0x3FB7];
	_ =	sdelay $0x3  }
0x33: {  	p0 =	seq.s32 s10, $0x1;
	s10 =	sld [smem:$0x3FB9];
	_ =	sdelay $0x3  }
0x34: {  	[smem:$0x3FB9] =	sst s10  }
0x35: {  	s10 =	sld [smem:$0x3FB8];
	_ =	sdelay $0x3  }
0x36: {  	p1 =	seq.s32 s10, $0x1;
	s10 =	sld [smem:$0x3FB9];
	_ =	sdelay $0x3  }
0x37: {  	[smem:$0x3FB9] =	sst s10  }
0x38: {  	s10 =	sld [smem:$0x3FBA]  }
0x39: {  	_ = 	snop;
	(pc) =	sbr.ind lr, $3  }
0x3a: {  	_ = 	snop  }
0x3b: {  	_ = 	snop  }
0x3c: {  	p2 =	seq.s32 s10, $0x1;
	s10 =	sld [smem:$0x3FB9]  }
0x3d: {  	_ =	shalt  }
0x3e: {  	_ =	shalt  }
0x3f: {  	_ =	shalt  }
0x40: {  	_ =	shalt  }
0x41: {  	_ =	shalt  }
0x42: {  	_ =	shalt  }
0x43: {  	_ =	shalt  }
0x44: {  	_ =	shalt  }
0x45: {  	_ =	shalt  }
0x46: {  	_ =	shalt  }
0x47: {  	_ =	shalt  }
0x48: {  	_ =	shalt  }
0x49: {  	_ =	shalt  }
0x4a: {  	_ =	shalt  }
0x4b: {  	_ =	shalt  }
0x4c: {  	_ =	shalt  }
0x4d: {  	_ =	shalt  }
0x4e: {  	_ =	shalt  }
0x4f: {  	_ =	shalt  }
0x50: {  	_ =	shalt  }
0x51: {  	_ =	shalt  }
0x52: {  	_ =	shalt  }
0x53: {  	_ =	shalt  }
0x54: {  	_ =	shalt  }
0x55: {  	_ =	shalt  }
0x56: {  	_ =	shalt  }
0x57: {  	_ =	shalt  }
0x58: {  	_ =	shalt  }
0x59: {  	_ =	shalt  }
0x5a: {  	_ =	shalt  }
0x5b: {  	_ =	shalt  }
0x5c: {  	_ =	shalt  }
0x5d: {  	_ =	shalt  }
0x5e: {  	_ =	shalt  }
0x5f: {  	_ =	shalt  }
0x60: {  	_ =	shalt  }
0x61: {  	_ =	shalt  }
0x62: {  	_ =	shalt  }
0x63: {  	_ =	shalt  }
0x64: {  	_ =	shalt  }
0x65: {  	_ =	shalt  }
0x66: {  	_ =	shalt  }
0x67: {  	_ =	shalt  }
0x68: {  	_ =	shalt  }
0x69: {  	_ =	shalt  }
0x6a: {  	_ =	shalt  }
0x6b: {  	_ =	shalt  }
0x6c: {  	_ =	shalt  }
0x6d: {  	_ =	shalt  }
0x6e: {  	_ =	shalt  }
0x6f: {  	_ =	shalt  }
0x70: {  	_ =	shalt  }
0x71: {  	_ =	shalt  }
0x72: {  	_ =	shalt  }
0x73: {  	_ =	shalt  }
0x74: {  	_ =	shalt  }
0x75: {  	_ =	shalt  }
0x76: {  	_ =	shalt  }
0x77: {  	_ =	shalt  }
0x78: {  	_ =	shalt  }
0x79: {  	_ =	shalt  }
0x7a: {  	_ =	shalt  }
0x7b: {  	_ =	shalt  }
0x7c: {  	_ =	shalt  }
0x7d: {  	_ =	shalt  }
0x7e: {  	_ =	shalt  }
0x7f: {  	_ =	shalt  }
0x80: {  	_ =	shalt  }
0x81: {  	_ =	shalt  }
0x82: {  	_ =	shalt  }
0x83: {  	_ =	shalt  }
0x84: {  	_ =	shalt  }
0x85: {  	_ =	shalt  }
0x86: {  	_ =	shalt  }
0x87: {  	_ =	shalt  }
.Lfunc_end0:
.L_simem_size_0:
called_computation_lowered:
.L_overlay_start_0:
0x88: {  	s2 =	sld [smem:$0x3FD9]  }
0x89: {  	s3 =	sld [smem:$0x3FFE];
	_ =	sdelay $0x1  }
0x8a: {  	s1 =	srdreg.scid  }
0x8b: {  	s0 =	sand.u32 $0x1, s1  }
0x8c: {  	s17 =	sshll.u32 s0, $0xA;
	s2 =	sadd.s32 s3, s2  }
0x8d: {  	s2 =	sadd.s32 s2, s17  }
0x8e: {  	[smem:$0x3FC5] =	sst s2  }
0x8f: {  	_ = 	snop  }
0x90: {  	s2 =	sld [smem:$0x3FD0];
	(tm) =	ssettm $0x1  }
0x91: {  	s18 =	sld [smem:$0x3FFB];
	_ =	sdelay $0x3  }
0x92: {  	_ =	strace s18  }
0x93: {  	s3 =	sld [smem:$0x3FFC];
	_ =	sdelay $0x3  }
0x94: {  	_ =	strace s3  }
0x95: {  	s3 =	sld [smem:$0x3FFD];
	_ =	sdelay $0x3  }
0x96: {  	_ =	strace s3  }
0x97: {  	_ =	strace $0x8FFFFFFF  }
0x98: {  	s19 =	sld [smem:$0x3FDB];
	_ =	sdelay $0x1  }
0x99: {  	s4 =	simm.s32 $_scs_section_size  }
0x9a: {  	s5 =	simm.s32 $_size__tile_overlayer_lowered;
	s6 =	simm.s32 $_tile_overlayer_lowered  }
0x9b: {  	s22 =	simm.s32 $0x1BFF;
	s21 =	sshll.u32 s6, $0x1;
	s3 =	sadd.s32 s4, s19  }
0x9c: {  	s7 =	simm.s32 $0x0;
	s20 =	sshll.u32 s5, $0x1;
	s5 =	sadd.s32 s21, s3  }
0x9d: {  	[timem:s7], [sflag:s22] =	dma.local [hbm:s5], s20  }
0x9e: {  	_ =	swait.ge [sflag:s22], s20  }
0x9f: {  	s4 =	ssub.s32 $0x0, s20;
	[sflag:s22] =	ssyncset.done $0x0  }
0xa0: {  	[sflag:s22] =	ssyncadd.s32 s4;
	_ =	sdelay $0x1  }
0xa1: {  	s23 =	simm.s32 $0x1B8B  }
0xa2: {  	_ =	swait.ge [sflag:s23], $0x1  }
0xa3: {  	[sflag:s23] =	ssyncset.done $0x0  }
0xa4: {  	s25 =	simm.s32 $0x1B8E;
	s24 =	sld [smem:$0x3FFE];
	[sflag:s23] =	ssyncadd.s32 $0xFFFFFFFF  }
0xa5: {  	s26 =	simm.s32 $execute0_lowered;
	[smem:$0x3FD2] =	sst s25  }
0xa6: {  	s5 =	sshll.u32 s26, $0x1;
	_ =	strace $0x80000046;
	[dreg:$0x1] =	wrdreg $0xFFFFFFFF  }
0xa7: {  	s28 =	simm.s32 $_size_execute0_lowered;
	s3 =	sadd.s32 s3, s5;
	[dreg:$0x0] =	wrdreg $0x0  }
0xa8: {  	s5 =	sshll.u32 s28, $0x1;
	[dreg:$0x2] =	wrdreg s3  }
0xa9: {  	[dreg:$0x3] =	wrdreg s5  }
0xaa: {  	[dreg:$0x4] =	wrdreg $0xC0  }
0xab: {  	_ =	task [dreg:s7], $0x5FFFF  }
0xac: {  	[dreg:$0x1] =	wrdreg $0xFFFFFFFF  }
0xad: {  	[dreg:$0x0] =	wrdreg $0x60  }
0xae: {  	[dreg:$0x2] =	wrdreg s24  }
0xaf: {  	[dreg:$0x3] =	wrdreg s2  }
0xb0: {  	[dreg:$0x4] =	wrdreg $0x0  }
0xb1: {  	[dreg:$0x5] =	wrdreg $0x9  }
0xb2: {  	_ =	task.clear_ibuf [dreg:s7], $0x6FFFF;
	_ =	strace $0x90000046  }
0xb3: {  	s29 =	simm.s32 $0x9;
	_ =	strace $0x80000048  }
0xb4: {  	_ =	swait.ge [sflag:s29], $0x1  }
0xb5: {  	[sflag:s29] =	ssyncadd.s32 $0xFFFFFFFF  }
0xb6: {  	_ =	strace $0x90000048  }
0xb7: {  	_ =	sfence  }
0xb8: {  	s30 =	sld [smem:$0x0];
	_ =	sdelay $0x2  }
0xb9: {  	s31 =	sshll.u32 s1, $0xD;
	s1 =	sshrl.u32 s1, $0x2  }
0xba: {  	s3 =	sand.u32 $0x4000, s31;
	s1 =	sadd.s32 s1, s30  }
0xbb: {  	s0 =	sor.u32 s3, s0;
	s1 =	sshll.u32 s1, $0x11  }
0xbc: {  	s0 =	sor.u32 s1, s0  }
0xbd: {  	s0 =	sadd.s32 $0x8F2B, s0  }
0xbe: {  	[sflag:s0] =	ssyncadd.remote.s32 $0x1  }
0xbf: {  	_ =	sfence.sel $0xFFFF  }
0xc0: {  	[dreg:$0x0] =	wrdreg $0xFFFFFFFF;
	(pc) =	sbr.abs _section_cstart, $3  }
0xc1: {  	[dreg:$0x1] =	wrdreg $0xFFFFFFFF  }
0xc2: {  	_ =	task.clear_ibuf [dreg:s7], $0x2FFFF;
	_ =	strace $0x9FFFFFFF  }
0xc3: {  	(tm) =	ssettm $0x7FFFFFFF  }
tec
execute0_lowered:
.L_overlay_start_1:
0x0: {  	(tag) =	ssettag $0x1  }
0x1: {  	s15 =	rddreg [dreg:$0x0]  }
0x2: {  	s4 =	rddreg [dreg:$0x1]  }
0x3: {  	s1 =	rddreg [dreg:$0x2]  }
0x4: {  	s2 =	srdreg.scid;
	s0 =	rddreg [dreg:$0x3];
	s3 =	simm.s32 $0x0  }
0x5: {  	s16 =	sand.u32 $0x1, s2;
	[smem:$0x7FF] =	sst s3;
	s2 =	stileid.u32  }
0x6: {  	s5 =	sshll.u32 s16, $0x4;
	_ =	strace $0x80000047;
	s8 =	sshll.u32 s2, $0x5  }
0x7: {  	s17 =	sshll.u32 s2, $0xB;
	s28 =	sshll.u32 s2, $0xE;
	s29 =	sshll.u32 s2, $0x6  }
0x8: {  	s10 =	sor.u32 s2, s5;
	s6 =	sadd.s32 s28, s1;
	s4 =	sadd.s32 s4, s17  }
0x9: {  	s5 =	sor.u32 $0x1C01, s29;
	s7 =	sshrl.u32 s6, $0x3;
	s6 =	simm.s32 $0x1  }
0xa: {  	[spmem:s7], [sflag:s5] =	dma.local [hbm:s4], $0x800  }
0xb: {  	s8 =	sand.u32 $0x60, s8;
	s9 =	sshll.u32 s10, $0x5;
	_ =	swait.ge [sflag:s6], $0x800  }
0xc: {  	s8 =	sadd.s32 s8, s15;
	s9 =	sand.u32 $0x380, s9;
	[sflag:s6] =	ssyncset.done $0x0  }
0xd: {  	s8 =	sadd.s32 s9, s8;
	[sflag:s6] =	ssyncadd.s32 $0xFFFFF800  }
0xe: {  	s9 =	simm.s32 $0x4000;
	s8 =	sadd.s32 $0x21200, s8;
	[bflag:$0x0] =	sbarrier.arrive $0xFFFF  }
0xf: {  	[tilespmem:s9], [sflag:$0x1] =	stream.linear.gather [hbm4b:s8+s3], $0x100, $0x38;
	[tilespmem:$0x8100] =	vst v63  }
0x10: {  	s10 =	sshll.u32 s10, $0xC;
	_ =	swait.ge [sflag:s6], $0x100  }
0x11: {  	s13 =	sadd.s32 s10, s15;
	[sflag:s6] =	ssyncset.done $0x0  }
0x12: {  	s11 =	simm.s32 $0x4100;
	s10 =	sadd.s32 $0x1200, s13;
	[sflag:s6] =	ssyncadd.s32 $0xFFFFFF00  }
0x13: {  	[tilespmem:s11], [sflag:$0x1] =	stream.linear.gather [hbm4b:s10+s3], $0x4000, $0x38;
	[tilespmem:$0x8100] =	vst v63  }
0x14: {  	_ =	swait.ge [sflag:s6], $0x4000  }
0x15: {  	[sflag:s6] =	ssyncset.done $0x0  }
0x16: {  	s12 =	simm.s32 $0x80;
	[sflag:s6] =	ssyncadd.s32 $0xFFFFC000  }
0x17: {  	[spmem:s1] =	stream.indirect.scatter.add.f32 [tilespmem:s11], [sflag:$0x1], $0x80, s9, s12, $0xb8;
	[tilespmem:$0x8100] =	vst v63  }
0x18: {  	_ =	swait.ge [sflag:s6], $0x4000  }
0x19: {  	[sflag:s6] =	ssyncset.done $0x0  }
0x1a: {  	s13 =	sadd.s32 $0x1A00, s13;
	[sflag:s6] =	ssyncadd.s32 $0xFFFFC000  }
0x1b: {  	[tilespmem:s11], [sflag:$0x1] =	stream.linear.gather [hbm4b:s13+s3], $0x4000, $0x38;
	[tilespmem:$0x8100] =	vst v63  }
0x1c: {  	s30 =	ssub.s32 $0x2, s16;
	_ =	swait.ge [sflag:s6], $0x4000  }
0x1d: {  	s14 =	simm.s32 $0x4080;
	s18 =	sshrl.u32 s30, $0x1;
	[sflag:s6] =	ssyncset.done $0x0  }
0x1e: {  	s15 =	sadd.s32 s17, s15;
	s17 =	ssub.s32 s30, s18;
	[sflag:s6] =	ssyncadd.s32 $0xFFFFC000  }
0x1f: {  	[spmem:s1] =	stream.indirect.scatter.add.f32 [tilespmem:s11], [sflag:$0x1], $0x80, s14, s12, $0xb8;
	[tilespmem:$0x8100] =	vst v63  }
0x20: {  	s31 =	smax.u32 s17, $0x1;
	_ =	swait.ge [sflag:s6], $0x4000  }
0x21: {  	s16 =	sshll.u32 s16, $0xF;
	p0 =	sne.s32 s31, $0x1;
	[sflag:s6] =	ssyncset.done $0x0  }
.Ltmp0:
0x22: {  	s15 =	sadd.s32 s16, s15;
	[sflag:s6] =	ssyncadd.s32 $0xFFFFC000;
	(pc) =	sbr.rel @!p0 .LBB2_2-.Ltmp0, $4  }
0x23: {  	s15 =	sadd.s32 $0x21600, s15;
	[bflag:$0x0] =	sbarrier.arrive $0xFFFF  }
0x24: {  	[hbm:s15], [sflag:s5] =	dma.local [spmem:s7], $0x800  }
0x25: {  	_ =	swait.ge [sflag:s6], $0x800  }
0x26: {  	s16 =	sadd.s32 $0xFFFFFFFF, s31;
	[sflag:s6] =	ssyncset.done $0x0  }
.LBB2_1:
0x27: {  	p0 =	sne.s32 s16, $0x1;
	s16 =	sadd.s32 $0xFFFFFFFF, s16;
	[sflag:s6] =	ssyncadd.s32 $0xFFFFF800  }
0x28: {  	[spmem:s7], [sflag:s5] =	dma.local [hbm:s4], $0x800  }
0x29: {  	_ =	swait.ge [sflag:s6], $0x800  }
0x2a: {  	[sflag:s6] =	ssyncset.done $0x0  }
0x2b: {  	[sflag:s6] =	ssyncadd.s32 $0xFFFFF800  }
0x2c: {  	[bflag:$0x0] =	sbarrier.arrive $0xFFFF  }
0x2d: {  	[tilespmem:s9], [sflag:$0x1] =	stream.linear.gather [hbm4b:s8+s3], $0x100, $0x38;
	[tilespmem:$0x8100] =	vst v63  }
0x2e: {  	_ =	swait.ge [sflag:s6], $0x100  }
0x2f: {  	[sflag:s6] =	ssyncset.done $0x0  }
0x30: {  	[sflag:s6] =	ssyncadd.s32 $0xFFFFFF00  }
0x31: {  	[tilespmem:s11], [sflag:$0x1] =	stream.linear.gather [hbm4b:s10+s3], $0x4000, $0x38;
	[tilespmem:$0x8100] =	vst v63  }
0x32: {  	_ =	swait.ge [sflag:s6], $0x4000  }
0x33: {  	[sflag:s6] =	ssyncset.done $0x0  }
0x34: {  	[sflag:s6] =	ssyncadd.s32 $0xFFFFC000  }
0x35: {  	[spmem:s1] =	stream.indirect.scatter.add.f32 [tilespmem:s11], [sflag:$0x1], $0x80, s9, s12, $0xb8;
	[tilespmem:$0x8100] =	vst v63  }
0x36: {  	_ =	swait.ge [sflag:s6], $0x4000  }
0x37: {  	[sflag:s6] =	ssyncset.done $0x0  }
0x38: {  	[sflag:s6] =	ssyncadd.s32 $0xFFFFC000  }
0x39: {  	[tilespmem:s11], [sflag:$0x1] =	stream.linear.gather [hbm4b:s13+s3], $0x4000, $0x38;
	[tilespmem:$0x8100] =	vst v63  }
0x3a: {  	_ =	swait.ge [sflag:s6], $0x4000  }
0x3b: {  	[sflag:s6] =	ssyncset.done $0x0  }
0x3c: {  	[sflag:s6] =	ssyncadd.s32 $0xFFFFC000  }
0x3d: {  	[spmem:s1] =	stream.indirect.scatter.add.f32 [tilespmem:s11], [sflag:$0x1], $0x80, s14, s12, $0xb8;
	[tilespmem:$0x8100] =	vst v63  }
0x3e: {  	_ =	swait.ge [sflag:s6], $0x4000  }
0x3f: {  	[sflag:s6] =	ssyncset.done $0x0  }
.Ltmp1:
0x40: {  	[sflag:s6] =	ssyncadd.s32 $0xFFFFC000;
	(pc) =	sbr.rel @p0 .LBB2_1-.Ltmp1, $4  }
0x41: {  	[bflag:$0x0] =	sbarrier.arrive $0xFFFF  }
0x42: {  	[hbm:s15], [sflag:s5] =	dma.local [spmem:s7], $0x800  }
0x43: {  	_ =	swait.ge [sflag:s6], $0x800  }
0x44: {  	[sflag:s6] =	ssyncset.done $0x0  }
.LBB2_2:
0x45: {  	[sflag:s6] =	ssyncadd.s32 $0xFFFFF800  }
0x46: {  	_ =	sfence.sel $0x180000  }
0x47: {  	[bflag:$0x0] =	sbarrier.arrive $0xFFFF  }
0x48: {  	p0 =	sne.s32 s2, $0x0;
	_ =	strace $0x90000047  }
0x49: {  	s0 =	sadd.s32 @!p0 $0x100000, s0;
	[bflag:$0x2] =	sbarrier.arrive $0xFFFF  }
0x4a: {  	[sflag:s0] =	ssyncadd.tile.s32 @!p0 $0x1;
	_ =	shalt  }
.Lfunc_end2:
_tile_overlayer_lowered:
.L_overlay_start_2:
0x4b: {  	(tag) =	ssettag $0x2  }
0x4c: {  	s0 =	rddreg [dreg:$0x0];
	s2 =	stileid.u32  }
0x4d: {  	s1 =	rddreg [dreg:$0x1];
	p0 =	sne.s32 s2, $0x0  }
0x4e: {  	s3 =	rddreg [dreg:$0x2];
	[bflag:$0x3] =	sbarrier.arrive $0xFFFF;
	s2 =	simm.s32 @!p0 $0x1C01  }
0x4f: {  	[timem:s3], [sflag:s2] =	dma.local @!p0 [hbm:s0], s1  }
0x50: {  	s0 =	simm.s32 @!p0 $0x1  }
0x51: {  	_ =	swait.ge @!p0 [sflag:s0], s1  }
0x52: {  	s1 =	ssub.s32 @!p0 $0x0, s1;
	[sflag:s0] =	ssyncset.done @!p0 $0x0  }
0x53: {  	[sflag:s0] =	ssyncadd.s32 @!p0 s1  }
0x54: {  	[bflag:$0x3] =	sbarrier.arrive $0xFFFF  }
0x55: {  	_ =	shalt  }

</sc_bundles>
